<compile_context>
chip_gen: v7x
topology: tpu7x:2x2x1
jax: 0.10.2.dev20260603
libtpu: 0.0.44.dev20260713+nightly
codegen_flags: <defaults>
</compile_context>

<pallas_src>
import dataclasses

import jax
import jax.numpy as jnp
from jax import lax
from jax.experimental import pallas as pl
from jax.experimental.pallas import tpu as pltpu
from jax.experimental.pallas import tpu_sc as plsc

VOCAB = 30
VOCAB_P = 32
OUT_LEN = 256
SEQ = 50
BLOCK_B = 512
N_TEC = 32
ROWS_PER_TEC = 4096 // N_TEC

_VECTOR_MESH = plsc.VectorSubcoreMesh(core_axis_name="c", subcore_axis_name="s")

_SC_CP = pltpu.CompilerParams()
if "needs_layout_passes" in pltpu.CompilerParams.__dataclass_fields__:
    _SC_CP = dataclasses.replace(_SC_CP, needs_layout_passes=False)


def _sc_hist(tokt_ref, counts_ref, tok_vmem, cnt_vmem, sem):
    c = lax.axis_index("c")
    s = lax.axis_index("s")
    tec = c * 16 + s
    r0 = tec * ROWS_PER_TEC
    cp_in = pltpu.make_async_copy(
        tokt_ref.at[:, pl.ds(r0, ROWS_PER_TEC)], tok_vmem, sem)
    cp_in.start()
    zeros = jnp.zeros((16,), jnp.float32)

    @pl.loop(0, ROWS_PER_TEC)
    def _(r):
        cnt_vmem[r, pl.ds(0, 16)] = zeros
        cnt_vmem[r, pl.ds(16, 16)] = zeros

    cp_in.wait()
    ones = jnp.full((16,), 1.0, jnp.float32)
    iota16 = lax.broadcasted_iota(jnp.int32, (16,), 0)

    @pl.loop(0, ROWS_PER_TEC // 16)
    def _(g):
        ridx = g * 16 + iota16

        @pl.loop(0, SEQ)
        def _(l):
            t16 = tok_vmem[l, pl.ds(g * 16, 16)]
            plsc.addupdate_scatter(cnt_vmem, [ridx, t16], ones)

    cp_out = pltpu.make_async_copy(
        cnt_vmem, counts_ref.at[pl.ds(r0, ROWS_PER_TEC), :], sem)
    cp_out.start()
    cp_out.wait()


def _tc_body(cnt_ref, tt_ref, out_ref):
    counts = cnt_ref[...].astype(jnp.bfloat16)
    for v in range(VOCAB):
        out_ref[v, :, :] = jnp.dot(counts, tt_ref[v],
                                   preferred_element_type=jnp.float32)


@jax.jit
def kernel(tokens, table):
    batch = tokens.shape[0]
    tokens = tokens.astype(jnp.int32)
    tokt = tokens.T

    counts = pl.kernel(
        _sc_hist,
        out_type=jax.ShapeDtypeStruct((batch, VOCAB_P), jnp.float32),
        mesh=_VECTOR_MESH,
        scratch_types=[
            pltpu.VMEM((SEQ, ROWS_PER_TEC), jnp.int32),
            pltpu.VMEM((ROWS_PER_TEC, VOCAB_P), jnp.float32),
            pltpu.SemaphoreType.DMA,
        ],
        compiler_params=_SC_CP,
    )(tokt)

    tt = table.reshape(VOCAB, OUT_LEN, VOCAB).transpose(2, 0, 1)
    tt = jnp.pad(tt, ((0, 0), (0, VOCAB_P - VOCAB), (0, 0)))
    tt = tt.astype(jnp.bfloat16)

    grid = (batch // BLOCK_B,)
    out_t = pl.pallas_call(
        _tc_body,
        grid=grid,
        in_specs=[
            pl.BlockSpec((BLOCK_B, VOCAB_P), lambda i: (i, 0)),
            pl.BlockSpec((VOCAB, VOCAB_P, OUT_LEN), lambda i: (0, 0, 0)),
        ],
        out_specs=pl.BlockSpec((VOCAB, BLOCK_B, OUT_LEN), lambda i: (0, i, 0)),
        out_shape=jax.ShapeDtypeStruct((VOCAB, batch, OUT_LEN), jnp.float32),
        compiler_params=pltpu.CompilerParams(
            dimension_semantics=("parallel",),
        ),
    )(counts, tt)
    return out_t.transpose(1, 2, 0)

# --- scband reference (transcript-rebuilt; emitter-appended) ---
"""Pipeline reference for scband-oracle-1984274890849 (READ-ONLY COPY).

The authoritative reference and input builder live on the scoring server;
editing this copy changes nothing except your own understanding.
"""

import jax, jax.numpy as jnp
import numpy as np

VOCAB = 30          # len(ascii_lowercase + ',.! ')
OUT_LEN = 256       # Oracle.output_length
EMB_DIM = OUT_LEN * VOCAB  # 7680, per torch.nn.Embedding(vocab_size, output_length * vocab_size)
BATCH = 4096
SEQ = 50


def setup_inputs(seed: int = 0) -> dict:
    key = jax.random.key(seed)
    k1, k2 = jax.random.split(key)
    # batched token ids standing in for encode(normalize(first_name)+' '+normalize(last_name))
    tokens = jax.random.randint(k1, (BATCH, SEQ), 0, VOCAB, dtype=jnp.int64)
    # learned parameter: the embedding table
    table = jax.random.normal(k2, (VOCAB, EMB_DIM), dtype=jnp.float32)
    return {"tokens": tokens, "table": table}


def reference(tokens, table):
    # Faithful to Oracle.forward: for each sequence, sum the embedding of every
    # token, viewed as (output_length, vocab_size). The python loop
    #   output = output + self.embedding(token).view(256, 30)
    # is a gather over the table followed by a sum over the sequence axis.
    emb = jnp.take(table, tokens, axis=0)          # [B, L, 7680] gather
    out = jnp.sum(emb, axis=1)                      # [B, 7680] sum over tokens
    return out.reshape(tokens.shape[0], OUT_LEN, VOCAB)  # [B, 256, 30]

if __name__ == "__main__":
    import jax
    _d = setup_inputs()
    print(jax.jit(kernel)(*tuple(_d.values())))

</pallas_src>

<mosaic_0001>
#map = affine_map<(d0, d1) -> (0, 0)>
module attributes {stable_mosaic.version = 14 : i64} {
  func.func @_sc_hist(%arg0: i32, %arg1: i32, %arg2: memref<50x4096xi32, #tpu.memory_space<hbm>>, %arg3: memref<4096x32xf32, #tpu.memory_space<hbm>>, %arg4: memref<50x128xi32, #tpu.memory_space<vmem>>, %arg5: memref<128x32xf32, #tpu.memory_space<vmem>>, %arg6: memref<!tpu.dma_semaphore, #tpu.memory_space<semaphore_mem>>) attributes {dimension_semantics = [#tpu.dimension_semantics<core_parallel>, #tpu.dimension_semantics<subcore_parallel>], iteration_bounds = array<i64: 2, 16>, scalar_prefetch = 0 : i64, scratch_operands = 3 : i64, tpu.core_type = #tpu.core_type<sc_vector_subcore>, window_params = [{transform_indices = #map}, {transform_indices = #map}]} {
    %mul3A = arith.constant 16 : i32
    %mul3A_0 = arith.muli %arg0, %mul3A : i32
    %add3A = arith.addi %mul3A_0, %arg1 : i32
    %mul3A_1 = arith.constant 128 : i32
    %mul3A_2 = arith.muli %add3A, %mul3A_1 : i32
    %dma_start3A = arith.constant 0 : i32
    %dma_start3A_3 = tpu.memref_slice %arg2[%dma_start3A, %mul3A_2] : memref<50x4096xi32, #tpu.memory_space<hbm>> -> memref<50x128xi32, #tpu.memory_space<hbm>>
    %dma_start3A_4 = arith.constant 0 : i32
    %dma_start3A_5 = tpu.memref_slice %arg2[%dma_start3A_4, %mul3A_2] : memref<50x4096xi32, #tpu.memory_space<hbm>> -> memref<50x128xi32, #tpu.memory_space<hbm>>
    tpu.enqueue_dma source(%dma_start3A_5 : memref<50x128xi32, #tpu.memory_space<hbm>>) target(%arg4 : memref<50x128xi32, #tpu.memory_space<vmem>>) target_semaphore(%arg6 : memref<!tpu.dma_semaphore, #tpu.memory_space<semaphore_mem>>)
    %broadcast_in_dim3A = arith.constant 0.000000e+00 : f32
    %broadcast_in_dim3A_6 = vector.broadcast %broadcast_in_dim3A : f32 to vector<16xf32>
    %scan3A = arith.constant 0 : i32
    %scan3A_7 = arith.constant 128 : i32
    %scan3A_8 = arith.addi %scan3A, %scan3A_7 : i32
    %scan3A_9 = arith.constant 1 : i32
    scf.for %scan3A_29 = %scan3A to %scan3A_8 step %scan3A_9  : i32 {
      %mul3A_30 = arith.constant 1 : i32
      %mul3A_31 = arith.muli %scan3A_29, %mul3A_30 : i32
      %add3A_32 = arith.constant 0 : i32
      %add3A_33 = arith.addi %add3A_32, %mul3A_31 : i32
      %swap3A = arith.index_cast %add3A_33 : i32 to index
      %swap3A_34 = arith.constant 0 : index
      %swap3A_35 = tpu.vector_load %arg5[%swap3A, %swap3A_34] {strides = array<i32>} : memref<128x32xf32, #tpu.memory_space<vmem>>, vector<16xf32>,
      tpu.vector_store %arg5[%swap3A, %swap3A_34], %broadcast_in_dim3A_6 {strides = array<i32>} : memref<128x32xf32, #tpu.memory_space<vmem>>, vector<16xf32>,
      %swap3A_36 = arith.index_cast %add3A_33 : i32 to index
      %swap3A_37 = arith.constant 16 : index
      %swap3A_38 = tpu.vector_load %arg5[%swap3A_36, %swap3A_37] {strides = array<i32>} : memref<128x32xf32, #tpu.memory_space<vmem>>, vector<16xf32>,
      tpu.vector_store %arg5[%swap3A_36, %swap3A_37], %broadcast_in_dim3A_6 {strides = array<i32>} : memref<128x32xf32, #tpu.memory_space<vmem>>, vector<16xf32>,
    }
    %scan3A_10 = arith.constant 128 : i32
    %dma_wait3A = arith.constant 0 : i32
    %dma_wait3A_11 = tpu.memref_slice %arg2[%dma_wait3A, %mul3A_2] : memref<50x4096xi32, #tpu.memory_space<hbm>> -> memref<50x128xi32, #tpu.memory_space<hbm>>
    %dma_wait3A_12 = arith.constant 0 : i32
    %dma_wait3A_13 = tpu.memref_slice %arg2[%dma_wait3A_12, %mul3A_2] : memref<50x4096xi32, #tpu.memory_space<hbm>> -> memref<50x128xi32, #tpu.memory_space<hbm>>
    tpu.wait_dma2 semaphore(%arg6 : memref<!tpu.dma_semaphore, #tpu.memory_space<semaphore_mem>>) src(%dma_wait3A_13 : memref<50x128xi32, #tpu.memory_space<hbm>>) dst(%arg4 : memref<50x128xi32, #tpu.memory_space<vmem>>)
    %broadcast_in_dim3A_14 = arith.constant 1.000000e+00 : f32
    %broadcast_in_dim3A_15 = vector.broadcast %broadcast_in_dim3A_14 : f32 to vector<16xf32>
    %iota3A = tpu.iota {dimensions = array<i32: 0>} : vector<16xi32>
    %scan3A_16 = arith.constant 0 : i32
    %scan3A_17 = arith.constant 8 : i32
    %scan3A_18 = arith.addi %scan3A_16, %scan3A_17 : i32
    %scan3A_19 = arith.constant 1 : i32
    scf.for %scan3A_29 = %scan3A_16 to %scan3A_18 step %scan3A_19  : i32 {
      %mul3A_30 = arith.constant 1 : i32
      %mul3A_31 = arith.muli %scan3A_29, %mul3A_30 : i32
      %add3A_32 = arith.constant 0 : i32
      %add3A_33 = arith.addi %add3A_32, %mul3A_31 : i32
      %mul3A_34 = arith.constant 16 : i32
      %mul3A_35 = arith.muli %add3A_33, %mul3A_34 : i32
      %add3A_36 = vector.broadcast %mul3A_35 : i32 to vector<16xi32>
      %add3A_37 = arith.addi %add3A_36, %iota3A : vector<16xi32>
      %scan3A_38 = arith.constant 0 : i32
      %scan3A_39 = arith.constant 50 : i32
      %scan3A_40 = arith.addi %scan3A_38, %scan3A_39 : i32
      %scan3A_41 = arith.constant 1 : i32
      scf.for %scan3A_43 = %scan3A_38 to %scan3A_40 step %scan3A_41  : i32 {
        %mul3A_44 = arith.constant 1 : i32
        %mul3A_45 = arith.muli %scan3A_43, %mul3A_44 : i32
        %add3A_46 = arith.constant 0 : i32
        %add3A_47 = arith.addi %add3A_46, %mul3A_45 : i32
        %mul3A_48 = arith.constant 16 : i32
        %mul3A_49 = arith.muli %add3A_33, %mul3A_48 : i32
        %get3A = arith.index_cast %add3A_47 : i32 to index
        %get3A_50 = arith.index_cast %mul3A_49 : i32 to index
        %get3A_51 = tpu.vector_load %arg4[%get3A, %get3A_50] {strides = array<i32>} : memref<50x128xi32, #tpu.memory_space<vmem>>, vector<16xi32>,
        tpu.vector_store_idx %arg5[%add3A_37, %get3A_51], %broadcast_in_dim3A_15 {add = true} : memref<128x32xf32, #tpu.memory_space<vmem>>[vector<16xi32>, vector<16xi32>], vector<16xf32>,
      }
      %scan3A_42 = arith.constant 50 : i32
    }
    %scan3A_20 = arith.constant 8 : i32
    %dma_start3A_21 = arith.constant 0 : i32
    %dma_start3A_22 = tpu.memref_slice %arg3[%mul3A_2, %dma_start3A_21] : memref<4096x32xf32, #tpu.memory_space<hbm>> -> memref<128x32xf32, #tpu.memory_space<hbm>>
    %dma_start3A_23 = arith.constant 0 : i32
    %dma_start3A_24 = tpu.memref_slice %arg3[%mul3A_2, %dma_start3A_23] : memref<4096x32xf32, #tpu.memory_space<hbm>> -> memref<128x32xf32, #tpu.memory_space<hbm>>
    tpu.enqueue_dma source(%arg5 : memref<128x32xf32, #tpu.memory_space<vmem>>) target(%dma_start3A_24 : memref<128x32xf32, #tpu.memory_space<hbm>>) target_semaphore(%arg6 : memref<!tpu.dma_semaphore, #tpu.memory_space<semaphore_mem>>)
    %dma_wait3A_25 = arith.constant 0 : i32
    %dma_wait3A_26 = tpu.memref_slice %arg3[%mul3A_2, %dma_wait3A_25] : memref<4096x32xf32, #tpu.memory_space<hbm>> -> memref<128x32xf32, #tpu.memory_space<hbm>>
    %dma_wait3A_27 = arith.constant 0 : i32
    %dma_wait3A_28 = tpu.memref_slice %arg3[%mul3A_2, %dma_wait3A_27] : memref<4096x32xf32, #tpu.memory_space<hbm>> -> memref<128x32xf32, #tpu.memory_space<hbm>>
    tpu.wait_dma2 semaphore(%arg6 : memref<!tpu.dma_semaphore, #tpu.memory_space<semaphore_mem>>) src(%arg5 : memref<128x32xf32, #tpu.memory_space<vmem>>) dst(%dma_wait3A_28 : memref<128x32xf32, #tpu.memory_space<hbm>>)
    return
  }
}

module attributes {stable_mosaic.version = 14 : i64} {
  func.func @_tc_body(%arg0: i32, %arg1: memref<512x32xf32, #tpu.memory_space<vmem>>, %arg2: memref<30x32x256xbf16, #tpu.memory_space<vmem>>, %arg3: memref<30x512x256xf32, #tpu.memory_space<vmem>>) attributes {dimension_semantics = [#tpu.dimension_semantics<parallel>], iteration_bounds = array<i64: 8>, scalar_prefetch = 0 : i64, scratch_operands = 0 : i64, tpu.core_type = #tpu.core_type<tc>, window_params = [{transform_indices = @transform_0, window_bounds = array<i64: 512, 32>}, {pipeline_mode = #tpu.pipeline_mode<synchronous>, transform_indices = @transform_1, window_bounds = array<i64: 30, 32, 256>}, {transform_indices = @transform_2, window_bounds = array<i64: 30, 512, 256>}]} {
    %get3A = arith.constant 0 : index
    %get3A_0 = arith.constant 0 : index
    %get3A_1 = vector.load %arg1[%get3A, %get3A_0] : memref<512x32xf32, #tpu.memory_space<vmem>>, vector<512x32xf32>
    %convert_element_type3A = arith.truncf %get3A_1 : vector<512x32xf32> to vector<512x32xbf16>
    %get3A_2 = arith.constant 0 : index
    %get3A_3 = arith.constant 0 : index
    %get3A_4 = arith.constant 0 : index
    %get3A_5 = vector.load %arg2[%get3A_2, %get3A_3, %get3A_4] : memref<30x32x256xbf16, #tpu.memory_space<vmem>>, vector<1x32x256xbf16>
    %get3A_6 = vector.shape_cast %get3A_5 : vector<1x32x256xbf16> to vector<32x256xbf16>
    %dot_general3A = arith.constant dense<0.000000e+00> : vector<512x256xf32>
    %dot_general3A_7 = tpu.matmul %convert_element_type3A, %get3A_6, %dot_general3A {dimension_numbers = #tpu.dot_dimension_numbers<[1], [0], [0], [1], [0, 0, 1, 1], [], []>, transpose_lhs_hint = false} : vector<512x32xbf16>, vector<32x256xbf16>, vector<512x256xf32> -> vector<512x256xf32>
    %swap3A = arith.constant 0 : index
    %swap3A_8 = arith.constant 0 : index
    %swap3A_9 = arith.constant 0 : index
    %swap3A_10 = vector.load %arg3[%swap3A, %swap3A_8, %swap3A_9] : memref<30x512x256xf32, #tpu.memory_space<vmem>>, vector<1x512x256xf32>
    %swap3A_11 = vector.shape_cast %swap3A_10 : vector<1x512x256xf32> to vector<512x256xf32>
    %swap3A_12 = vector.shape_cast %dot_general3A_7 : vector<512x256xf32> to vector<1x512x256xf32>
    tpu.vector_store %arg3[%swap3A, %swap3A_8, %swap3A_9], %swap3A_12 {strides = array<i32>} : memref<30x512x256xf32, #tpu.memory_space<vmem>>, vector<1x512x256xf32>,
    %get3A_13 = arith.constant 1 : index
    %get3A_14 = arith.constant 0 : index
    %get3A_15 = arith.constant 0 : index
    %get3A_16 = vector.load %arg2[%get3A_13, %get3A_14, %get3A_15] : memref<30x32x256xbf16, #tpu.memory_space<vmem>>, vector<1x32x256xbf16>
    %get3A_17 = vector.shape_cast %get3A_16 : vector<1x32x256xbf16> to vector<32x256xbf16>
    %dot_general3A_18 = arith.constant dense<0.000000e+00> : vector<512x256xf32>
    %dot_general3A_19 = tpu.matmul %convert_element_type3A, %get3A_17, %dot_general3A_18 {dimension_numbers = #tpu.dot_dimension_numbers<[1], [0], [0], [1], [0, 0, 1, 1], [], []>, transpose_lhs_hint = false} : vector<512x32xbf16>, vector<32x256xbf16>, vector<512x256xf32> -> vector<512x256xf32>
    %swap3A_20 = arith.constant 1 : index
    %swap3A_21 = arith.constant 0 : index
    %swap3A_22 = arith.constant 0 : index
    %swap3A_23 = vector.load %arg3[%swap3A_20, %swap3A_21, %swap3A_22] : memref<30x512x256xf32, #tpu.memory_space<vmem>>, vector<1x512x256xf32>
    %swap3A_24 = vector.shape_cast %swap3A_23 : vector<1x512x256xf32> to vector<512x256xf32>
    %swap3A_25 = vector.shape_cast %dot_general3A_19 : vector<512x256xf32> to vector<1x512x256xf32>
    tpu.vector_store %arg3[%swap3A_20, %swap3A_21, %swap3A_22], %swap3A_25 {strides = array<i32>} : memref<30x512x256xf32, #tpu.memory_space<vmem>>, vector<1x512x256xf32>,
    %get3A_26 = arith.constant 2 : index
    %get3A_27 = arith.constant 0 : index
    %get3A_28 = arith.constant 0 : index
    %get3A_29 = vector.load %arg2[%get3A_26, %get3A_27, %get3A_28] : memref<30x32x256xbf16, #tpu.memory_space<vmem>>, vector<1x32x256xbf16>
    %get3A_30 = vector.shape_cast %get3A_29 : vector<1x32x256xbf16> to vector<32x256xbf16>
    %dot_general3A_31 = arith.constant dense<0.000000e+00> : vector<512x256xf32>
    %dot_general3A_32 = tpu.matmul %convert_element_type3A, %get3A_30, %dot_general3A_31 {dimension_numbers = #tpu.dot_dimension_numbers<[1], [0], [0], [1], [0, 0, 1, 1], [], []>, transpose_lhs_hint = false} : vector<512x32xbf16>, vector<32x256xbf16>, vector<512x256xf32> -> vector<512x256xf32>
    %swap3A_33 = arith.constant 2 : index
    %swap3A_34 = arith.constant 0 : index
    %swap3A_35 = arith.constant 0 : index
    %swap3A_36 = vector.load %arg3[%swap3A_33, %swap3A_34, %swap3A_35] : memref<30x512x256xf32, #tpu.memory_space<vmem>>, vector<1x512x256xf32>
    %swap3A_37 = vector.shape_cast %swap3A_36 : vector<1x512x256xf32> to vector<512x256xf32>
    %swap3A_38 = vector.shape_cast %dot_general3A_32 : vector<512x256xf32> to vector<1x512x256xf32>
    tpu.vector_store %arg3[%swap3A_33, %swap3A_34, %swap3A_35], %swap3A_38 {strides = array<i32>} : memref<30x512x256xf32, #tpu.memory_space<vmem>>, vector<1x512x256xf32>,
    %get3A_39 = arith.constant 3 : index
    %get3A_40 = arith.constant 0 : index
    %get3A_41 = arith.constant 0 : index
    %get3A_42 = vector.load %arg2[%get3A_39, %get3A_40, %get3A_41] : memref<30x32x256xbf16, #tpu.memory_space<vmem>>, vector<1x32x256xbf16>
    %get3A_43 = vector.shape_cast %get3A_42 : vector<1x32x256xbf16> to vector<32x256xbf16>
    %dot_general3A_44 = arith.constant dense<0.000000e+00> : vector<512x256xf32>
    %dot_general3A_45 = tpu.matmul %convert_element_type3A, %get3A_43, %dot_general3A_44 {dimension_numbers = #tpu.dot_dimension_numbers<[1], [0], [0], [1], [0, 0, 1, 1], [], []>, transpose_lhs_hint = false} : vector<512x32xbf16>, vector<32x256xbf16>, vector<512x256xf32> -> vector<512x256xf32>
    %swap3A_46 = arith.constant 3 : index
    %swap3A_47 = arith.constant 0 : index
    %swap3A_48 = arith.constant 0 : index
    %swap3A_49 = vector.load %arg3[%swap3A_46, %swap3A_47, %swap3A_48] : memref<30x512x256xf32, #tpu.memory_space<vmem>>, vector<1x512x256xf32>
    %swap3A_50 = vector.shape_cast %swap3A_49 : vector<1x512x256xf32> to vector<512x256xf32>
    %swap3A_51 = vector.shape_cast %dot_general3A_45 : vector<512x256xf32> to vector<1x512x256xf32>
    tpu.vector_store %arg3[%swap3A_46, %swap3A_47, %swap3A_48], %swap3A_51 {strides = array<i32>} : memref<30x512x256xf32, #tpu.memory_space<vmem>>, vector<1x512x256xf32>,
    %get3A_52 = arith.constant 4 : index
    %get3A_53 = arith.constant 0 : index
    %get3A_54 = arith.constant 0 : index
    %get3A_55 = vector.load %arg2[%get3A_52, %get3A_53, %get3A_54] : memref<30x32x256xbf16, #tpu.memory_space<vmem>>, vector<1x32x256xbf16>
    %get3A_56 = vector.shape_cast %get3A_55 : vector<1x32x256xbf16> to vector<32x256xbf16>
    %dot_general3A_57 = arith.constant dense<0.000000e+00> : vector<512x256xf32>
    %dot_general3A_58 = tpu.matmul %convert_element_type3A, %get3A_56, %dot_general3A_57 {dimension_numbers = #tpu.dot_dimension_numbers<[1], [0], [0], [1], [0, 0, 1, 1], [], []>, transpose_lhs_hint = false} : vector<512x32xbf16>, vector<32x256xbf16>, vector<512x256xf32> -> vector<512x256xf32>
    %swap3A_59 = arith.constant 4 : index
    %swap3A_60 = arith.constant 0 : index
    %swap3A_61 = arith.constant 0 : index
    %swap3A_62 = vector.load %arg3[%swap3A_59, %swap3A_60, %swap3A_61] : memref<30x512x256xf32, #tpu.memory_space<vmem>>, vector<1x512x256xf32>
    %swap3A_63 = vector.shape_cast %swap3A_62 : vector<1x512x256xf32> to vector<512x256xf32>
    %swap3A_64 = vector.shape_cast %dot_general3A_58 : vector<512x256xf32> to vector<1x512x256xf32>
    tpu.vector_store %arg3[%swap3A_59, %swap3A_60, %swap3A_61], %swap3A_64 {strides = array<i32>} : memref<30x512x256xf32, #tpu.memory_space<vmem>>, vector<1x512x256xf32>,
    %get3A_65 = arith.constant 5 : index
    %get3A_66 = arith.constant 0 : index
    %get3A_67 = arith.constant 0 : index
    %get3A_68 = vector.load %arg2[%get3A_65, %get3A_66, %get3A_67] : memref<30x32x256xbf16, #tpu.memory_space<vmem>>, vector<1x32x256xbf16>
    %get3A_69 = vector.shape_cast %get3A_68 : vector<1x32x256xbf16> to vector<32x256xbf16>
    %dot_general3A_70 = arith.constant dense<0.000000e+00> : vector<512x256xf32>
    %dot_general3A_71 = tpu.matmul %convert_element_type3A, %get3A_69, %dot_general3A_70 {dimension_numbers = #tpu.dot_dimension_numbers<[1], [0], [0], [1], [0, 0, 1, 1], [], []>, transpose_lhs_hint = false} : vector<512x32xbf16>, vector<32x256xbf16>, vector<512x256xf32> -> vector<512x256xf32>
    %swap3A_72 = arith.constant 5 : index
    %swap3A_73 = arith.constant 0 : index
    %swap3A_74 = arith.constant 0 : index
    %swap3A_75 = vector.load %arg3[%swap3A_72, %swap3A_73, %swap3A_74] : memref<30x512x256xf32, #tpu.memory_space<vmem>>, vector<1x512x256xf32>
    %swap3A_76 = vector.shape_cast %swap3A_75 : vector<1x512x256xf32> to vector<512x256xf32>
    %swap3A_77 = vector.shape_cast %dot_general3A_71 : vector<512x256xf32> to vector<1x512x256xf32>
    tpu.vector_store %arg3[%swap3A_72, %swap3A_73, %swap3A_74], %swap3A_77 {strides = array<i32>} : memref<30x512x256xf32, #tpu.memory_space<vmem>>, vector<1x512x256xf32>,
    %get3A_78 = arith.constant 6 : index
    %get3A_79 = arith.constant 0 : index
    %get3A_80 = arith.constant 0 : index
    %get3A_81 = vector.load %arg2[%get3A_78, %get3A_79, %get3A_80] : memref<30x32x256xbf16, #tpu.memory_space<vmem>>, vector<1x32x256xbf16>
    %get3A_82 = vector.shape_cast %get3A_81 : vector<1x32x256xbf16> to vector<32x256xbf16>
    %dot_general3A_83 = arith.constant dense<0.000000e+00> : vector<512x256xf32>
    %dot_general3A_84 = tpu.matmul %convert_element_type3A, %get3A_82, %dot_general3A_83 {dimension_numbers = #tpu.dot_dimension_numbers<[1], [0], [0], [1], [0, 0, 1, 1], [], []>, transpose_lhs_hint = false} : vector<512x32xbf16>, vector<32x256xbf16>, vector<512x256xf32> -> vector<512x256xf32>
    %swap3A_85 = arith.constant 6 : index
    %swap3A_86 = arith.constant 0 : index
    %swap3A_87 = arith.constant 0 : index
    %swap3A_88 = vector.load %arg3[%swap3A_85, %swap3A_86, %swap3A_87] : memref<30x512x256xf32, #tpu.memory_space<vmem>>, vector<1x512x256xf32>
    %swap3A_89 = vector.shape_cast %swap3A_88 : vector<1x512x256xf32> to vector<512x256xf32>
    %swap3A_90 = vector.shape_cast %dot_general3A_84 : vector<512x256xf32> to vector<1x512x256xf32>
    tpu.vector_store %arg3[%swap3A_85, %swap3A_86, %swap3A_87], %swap3A_90 {strides = array<i32>} : memref<30x512x256xf32, #tpu.memory_space<vmem>>, vector<1x512x256xf32>,
    %get3A_91 = arith.constant 7 : index
    %get3A_92 = arith.constant 0 : index
    %get3A_93 = arith.constant 0 : index
    %get3A_94 = vector.load %arg2[%get3A_91, %get3A_92, %get3A_93] : memref<30x32x256xbf16, #tpu.memory_space<vmem>>, vector<1x32x256xbf16>
    %get3A_95 = vector.shape_cast %get3A_94 : vector<1x32x256xbf16> to vector<32x256xbf16>
    %dot_general3A_96 = arith.constant dense<0.000000e+00> : vector<512x256xf32>
    %dot_general3A_97 = tpu.matmul %convert_element_type3A, %get3A_95, %dot_general3A_96 {dimension_numbers = #tpu.dot_dimension_numbers<[1], [0], [0], [1], [0, 0, 1, 1], [], []>, transpose_lhs_hint = false} : vector<512x32xbf16>, vector<32x256xbf16>, vector<512x256xf32> -> vector<512x256xf32>
    %swap3A_98 = arith.constant 7 : index
    %swap3A_99 = arith.constant 0 : index
    %swap3A_100 = arith.constant 0 : index
    %swap3A_101 = vector.load %arg3[%swap3A_98, %swap3A_99, %swap3A_100] : memref<30x512x256xf32, #tpu.memory_space<vmem>>, vector<1x512x256xf32>
    %swap3A_102 = vector.shape_cast %swap3A_101 : vector<1x512x256xf32> to vector<512x256xf32>
    %swap3A_103 = vector.shape_cast %dot_general3A_97 : vector<512x256xf32> to vector<1x512x256xf32>
    tpu.vector_store %arg3[%swap3A_98, %swap3A_99, %swap3A_100], %swap3A_103 {strides = array<i32>} : memref<30x512x256xf32, #tpu.memory_space<vmem>>, vector<1x512x256xf32>,
    %get3A_104 = arith.constant 8 : index
    %get3A_105 = arith.constant 0 : index
    %get3A_106 = arith.constant 0 : index
    %get3A_107 = vector.load %arg2[%get3A_104, %get3A_105, %get3A_106] : memref<30x32x256xbf16, #tpu.memory_space<vmem>>, vector<1x32x256xbf16>
    %get3A_108 = vector.shape_cast %get3A_107 : vector<1x32x256xbf16> to vector<32x256xbf16>
    %dot_general3A_109 = arith.constant dense<0.000000e+00> : vector<512x256xf32>
    %dot_general3A_110 = tpu.matmul %convert_element_type3A, %get3A_108, %dot_general3A_109 {dimension_numbers = #tpu.dot_dimension_numbers<[1], [0], [0], [1], [0, 0, 1, 1], [], []>, transpose_lhs_hint = false} : vector<512x32xbf16>, vector<32x256xbf16>, vector<512x256xf32> -> vector<512x256xf32>
    %swap3A_111 = arith.constant 8 : index
    %swap3A_112 = arith.constant 0 : index
    %swap3A_113 = arith.constant 0 : index
    %swap3A_114 = vector.load %arg3[%swap3A_111, %swap3A_112, %swap3A_113] : memref<30x512x256xf32, #tpu.memory_space<vmem>>, vector<1x512x256xf32>
    %swap3A_115 = vector.shape_cast %swap3A_114 : vector<1x512x256xf32> to vector<512x256xf32>
    %swap3A_116 = vector.shape_cast %dot_general3A_110 : vector<512x256xf32> to vector<1x512x256xf32>
    tpu.vector_store %arg3[%swap3A_111, %swap3A_112, %swap3A_113], %swap3A_116 {strides = array<i32>} : memref<30x512x256xf32, #tpu.memory_space<vmem>>, vector<1x512x256xf32>,
    %get3A_117 = arith.constant 9 : index
    %get3A_118 = arith.constant 0 : index
    %get3A_119 = arith.constant 0 : index
    %get3A_120 = vector.load %arg2[%get3A_117, %get3A_118, %get3A_119] : memref<30x32x256xbf16, #tpu.memory_space<vmem>>, vector<1x32x256xbf16>
    %get3A_121 = vector.shape_cast %get3A_120 : vector<1x32x256xbf16> to vector<32x256xbf16>
    %dot_general3A_122 = arith.constant dense<0.000000e+00> : vector<512x256xf32>
    %dot_general3A_123 = tpu.matmul %convert_element_type3A, %get3A_121, %dot_general3A_122 {dimension_numbers = #tpu.dot_dimension_numbers<[1], [0], [0], [1], [0, 0, 1, 1], [], []>, transpose_lhs_hint = false} : vector<512x32xbf16>, vector<32x256xbf16>, vector<512x256xf32> -> vector<512x256xf32>
    %swap3A_124 = arith.constant 9 : index
    %swap3A_125 = arith.constant 0 : index
    %swap3A_126 = arith.constant 0 : index
    %swap3A_127 = vector.load %arg3[%swap3A_124, %swap3A_125, %swap3A_126] : memref<30x512x256xf32, #tpu.memory_space<vmem>>, vector<1x512x256xf32>
    %swap3A_128 = vector.shape_cast %swap3A_127 : vector<1x512x256xf32> to vector<512x256xf32>
    %swap3A_129 = vector.shape_cast %dot_general3A_123 : vector<512x256xf32> to vector<1x512x256xf32>
    tpu.vector_store %arg3[%swap3A_124, %swap3A_125, %swap3A_126], %swap3A_129 {strides = array<i32>} : memref<30x512x256xf32, #tpu.memory_space<vmem>>, vector<1x512x256xf32>,
    %get3A_130 = arith.constant 10 : index
    %get3A_131 = arith.constant 0 : index
    %get3A_132 = arith.constant 0 : index
    %get3A_133 = vector.load %arg2[%get3A_130, %get3A_131, %get3A_132] : memref<30x32x256xbf16, #tpu.memory_space<vmem>>, vector<1x32x256xbf16>
    %get3A_134 = vector.shape_cast %get3A_133 : vector<1x32x256xbf16> to vector<32x256xbf16>
    %dot_general3A_135 = arith.constant dense<0.000000e+00> : vector<512x256xf32>
    %dot_general3A_136 = tpu.matmul %convert_element_type3A, %get3A_134, %dot_general3A_135 {dimension_numbers = #tpu.dot_dimension_numbers<[1], [0], [0], [1], [0, 0, 1, 1], [], []>, transpose_lhs_hint = false} : vector<512x32xbf16>, vector<32x256xbf16>, vector<512x256xf32> -> vector<512x256xf32>
    %swap3A_137 = arith.constant 10 : index
    %swap3A_138 = arith.constant 0 : index
    %swap3A_139 = arith.constant 0 : index
    %swap3A_140 = vector.load %arg3[%swap3A_137, %swap3A_138, %swap3A_139] : memref<30x512x256xf32, #tpu.memory_space<vmem>>, vector<1x512x256xf32>
    %swap3A_141 = vector.shape_cast %swap3A_140 : vector<1x512x256xf32> to vector<512x256xf32>
    %swap3A_142 = vector.shape_cast %dot_general3A_136 : vector<512x256xf32> to vector<1x512x256xf32>
    tpu.vector_store %arg3[%swap3A_137, %swap3A_138, %swap3A_139], %swap3A_142 {strides = array<i32>} : memref<30x512x256xf32, #tpu.memory_space<vmem>>, vector<1x512x256xf32>,
    %get3A_143 = arith.constant 11 : index
    %get3A_144 = arith.constant 0 : index
    %get3A_145 = arith.constant 0 : index
    %get3A_146 = vector.load %arg2[%get3A_143, %get3A_144, %get3A_145] : memref<30x32x256xbf16, #tpu.memory_space<vmem>>, vector<1x32x256xbf16>
    %get3A_147 = vector.shape_cast %get3A_146 : vector<1x32x256xbf16> to vector<32x256xbf16>
    %dot_general3A_148 = arith.constant dense<0.000000e+00> : vector<512x256xf32>
    %dot_general3A_149 = tpu.matmul %convert_element_type3A, %get3A_147, %dot_general3A_148 {dimension_numbers = #tpu.dot_dimension_numbers<[1], [0], [0], [1], [0, 0, 1, 1], [], []>, transpose_lhs_hint = false} : vector<512x32xbf16>, vector<32x256xbf16>, vector<512x256xf32> -> vector<512x256xf32>
    %swap3A_150 = arith.constant 11 : index
    %swap3A_151 = arith.constant 0 : index
    %swap3A_152 = arith.constant 0 : index
    %swap3A_153 = vector.load %arg3[%swap3A_150, %swap3A_151, %swap3A_152] : memref<30x512x256xf32, #tpu.memory_space<vmem>>, vector<1x512x256xf32>
    %swap3A_154 = vector.shape_cast %swap3A_153 : vector<1x512x256xf32> to vector<512x256xf32>
    %swap3A_155 = vector.shape_cast %dot_general3A_149 : vector<512x256xf32> to vector<1x512x256xf32>
    tpu.vector_store %arg3[%swap3A_150, %swap3A_151, %swap3A_152], %swap3A_155 {strides = array<i32>} : memref<30x512x256xf32, #tpu.memory_space<vmem>>, vector<1x512x256xf32>,
    %get3A_156 = arith.constant 12 : index
    %get3A_157 = arith.constant 0 : index
    %get3A_158 = arith.constant 0 : index
    %get3A_159 = vector.load %arg2[%get3A_156, %get3A_157, %get3A_158] : memref<30x32x256xbf16, #tpu.memory_space<vmem>>, vector<1x32x256xbf16>
    %get3A_160 = vector.shape_cast %get3A_159 : vector<1x32x256xbf16> to vector<32x256xbf16>
    %dot_general3A_161 = arith.constant dense<0.000000e+00> : vector<512x256xf32>
    %dot_general3A_162 = tpu.matmul %convert_element_type3A, %get3A_160, %dot_general3A_161 {dimension_numbers = #tpu.dot_dimension_numbers<[1], [0], [0], [1], [0, 0, 1, 1], [], []>, transpose_lhs_hint = false} : vector<512x32xbf16>, vector<32x256xbf16>, vector<512x256xf32> -> vector<512x256xf32>
    %swap3A_163 = arith.constant 12 : index
    %swap3A_164 = arith.constant 0 : index
    %swap3A_165 = arith.constant 0 : index
    %swap3A_166 = vector.load %arg3[%swap3A_163, %swap3A_164, %swap3A_165] : memref<30x512x256xf32, #tpu.memory_space<vmem>>, vector<1x512x256xf32>
    %swap3A_167 = vector.shape_cast %swap3A_166 : vector<1x512x256xf32> to vector<512x256xf32>
    %swap3A_168 = vector.shape_cast %dot_general3A_162 : vector<512x256xf32> to vector<1x512x256xf32>
    tpu.vector_store %arg3[%swap3A_163, %swap3A_164, %swap3A_165], %swap3A_168 {strides = array<i32>} : memref<30x512x256xf32, #tpu.memory_space<vmem>>, vector<1x512x256xf32>,
    %get3A_169 = arith.constant 13 : index
    %get3A_170 = arith.constant 0 : index
    %get3A_171 = arith.constant 0 : index
    %get3A_172 = vector.load %arg2[%get3A_169, %get3A_170, %get3A_171] : memref<30x32x256xbf16, #tpu.memory_space<vmem>>, vector<1x32x256xbf16>
    %get3A_173 = vector.shape_cast %get3A_172 : vector<1x32x256xbf16> to vector<32x256xbf16>
    %dot_general3A_174 = arith.constant dense<0.000000e+00> : vector<512x256xf32>
    %dot_general3A_175 = tpu.matmul %convert_element_type3A, %get3A_173, %dot_general3A_174 {dimension_numbers = #tpu.dot_dimension_numbers<[1], [0], [0], [1], [0, 0, 1, 1], [], []>, transpose_lhs_hint = false} : vector<512x32xbf16>, vector<32x256xbf16>, vector<512x256xf32> -> vector<512x256xf32>
    %swap3A_176 = arith.constant 13 : index
    %swap3A_177 = arith.constant 0 : index
    %swap3A_178 = arith.constant 0 : index
    %swap3A_179 = vector.load %arg3[%swap3A_176, %swap3A_177, %swap3A_178] : memref<30x512x256xf32, #tpu.memory_space<vmem>>, vector<1x512x256xf32>
    %swap3A_180 = vector.shape_cast %swap3A_179 : vector<1x512x256xf32> to vector<512x256xf32>
    %swap3A_181 = vector.shape_cast %dot_general3A_175 : vector<512x256xf32> to vector<1x512x256xf32>
    tpu.vector_store %arg3[%swap3A_176, %swap3A_177, %swap3A_178], %swap3A_181 {strides = array<i32>} : memref<30x512x256xf32, #tpu.memory_space<vmem>>, vector<1x512x256xf32>,
    %get3A_182 = arith.constant 14 : index
    %get3A_183 = arith.constant 0 : index
    %get3A_184 = arith.constant 0 : index
    %get3A_185 = vector.load %arg2[%get3A_182, %get3A_183, %get3A_184] : memref<30x32x256xbf16, #tpu.memory_space<vmem>>, vector<1x32x256xbf16>
    %get3A_186 = vector.shape_cast %get3A_185 : vector<1x32x256xbf16> to vector<32x256xbf16>
    %dot_general3A_187 = arith.constant dense<0.000000e+00> : vector<512x256xf32>
    %dot_general3A_188 = tpu.matmul %convert_element_type3A, %get3A_186, %dot_general3A_187 {dimension_numbers = #tpu.dot_dimension_numbers<[1], [0], [0], [1], [0, 0, 1, 1], [], []>, transpose_lhs_hint = false} : vector<512x32xbf16>, vector<32x256xbf16>, vector<512x256xf32> -> vector<512x256xf32>
    %swap3A_189 = arith.constant 14 : index
    %swap3A_190 = arith.constant 0 : index
    %swap3A_191 = arith.constant 0 : index
    %swap3A_192 = vector.load %arg3[%swap3A_189, %swap3A_190, %swap3A_191] : memref<30x512x256xf32, #tpu.memory_space<vmem>>, vector<1x512x256xf32>
    %swap3A_193 = vector.shape_cast %swap3A_192 : vector<1x512x256xf32> to vector<512x256xf32>
    %swap3A_194 = vector.shape_cast %dot_general3A_188 : vector<512x256xf32> to vector<1x512x256xf32>
    tpu.vector_store %arg3[%swap3A_189, %swap3A_190, %swap3A_191], %swap3A_194 {strides = array<i32>} : memref<30x512x256xf32, #tpu.memory_space<vmem>>, vector<1x512x256xf32>,
    %get3A_195 = arith.constant 15 : index
    %get3A_196 = arith.constant 0 : index
    %get3A_197 = arith.constant 0 : index
    %get3A_198 = vector.load %arg2[%get3A_195, %get3A_196, %get3A_197] : memref<30x32x256xbf16, #tpu.memory_space<vmem>>, vector<1x32x256xbf16>
    %get3A_199 = vector.shape_cast %get3A_198 : vector<1x32x256xbf16> to vector<32x256xbf16>
    %dot_general3A_200 = arith.constant dense<0.000000e+00> : vector<512x256xf32>
    %dot_general3A_201 = tpu.matmul %convert_element_type3A, %get3A_199, %dot_general3A_200 {dimension_numbers = #tpu.dot_dimension_numbers<[1], [0], [0], [1], [0, 0, 1, 1], [], []>, transpose_lhs_hint = false} : vector<512x32xbf16>, vector<32x256xbf16>, vector<512x256xf32> -> vector<512x256xf32>
    %swap3A_202 = arith.constant 15 : index
    %swap3A_203 = arith.constant 0 : index
    %swap3A_204 = arith.constant 0 : index
    %swap3A_205 = vector.load %arg3[%swap3A_202, %swap3A_203, %swap3A_204] : memref<30x512x256xf32, #tpu.memory_space<vmem>>, vector<1x512x256xf32>
    %swap3A_206 = vector.shape_cast %swap3A_205 : vector<1x512x256xf32> to vector<512x256xf32>
    %swap3A_207 = vector.shape_cast %dot_general3A_201 : vector<512x256xf32> to vector<1x512x256xf32>
    tpu.vector_store %arg3[%swap3A_202, %swap3A_203, %swap3A_204], %swap3A_207 {strides = array<i32>} : memref<30x512x256xf32, #tpu.memory_space<vmem>>, vector<1x512x256xf32>,
    %get3A_208 = arith.constant 16 : index
    %get3A_209 = arith.constant 0 : index
    %get3A_210 = arith.constant 0 : index
    %get3A_211 = vector.load %arg2[%get3A_208, %get3A_209, %get3A_210] : memref<30x32x256xbf16, #tpu.memory_space<vmem>>, vector<1x32x256xbf16>
    %get3A_212 = vector.shape_cast %get3A_211 : vector<1x32x256xbf16> to vector<32x256xbf16>
    %dot_general3A_213 = arith.constant dense<0.000000e+00> : vector<512x256xf32>
    %dot_general3A_214 = tpu.matmul %convert_element_type3A, %get3A_212, %dot_general3A_213 {dimension_numbers = #tpu.dot_dimension_numbers<[1], [0], [0], [1], [0, 0, 1, 1], [], []>, transpose_lhs_hint = false} : vector<512x32xbf16>, vector<32x256xbf16>, vector<512x256xf32> -> vector<512x256xf32>
    %swap3A_215 = arith.constant 16 : index
    %swap3A_216 = arith.constant 0 : index
    %swap3A_217 = arith.constant 0 : index
    %swap3A_218 = vector.load %arg3[%swap3A_215, %swap3A_216, %swap3A_217] : memref<30x512x256xf32, #tpu.memory_space<vmem>>, vector<1x512x256xf32>
    %swap3A_219 = vector.shape_cast %swap3A_218 : vector<1x512x256xf32> to vector<512x256xf32>
    %swap3A_220 = vector.shape_cast %dot_general3A_214 : vector<512x256xf32> to vector<1x512x256xf32>
    tpu.vector_store %arg3[%swap3A_215, %swap3A_216, %swap3A_217], %swap3A_220 {strides = array<i32>} : memref<30x512x256xf32, #tpu.memory_space<vmem>>, vector<1x512x256xf32>,
    %get3A_221 = arith.constant 17 : index
    %get3A_222 = arith.constant 0 : index
    %get3A_223 = arith.constant 0 : index
    %get3A_224 = vector.load %arg2[%get3A_221, %get3A_222, %get3A_223] : memref<30x32x256xbf16, #tpu.memory_space<vmem>>, vector<1x32x256xbf16>
    %get3A_225 = vector.shape_cast %get3A_224 : vector<1x32x256xbf16> to vector<32x256xbf16>
    %dot_general3A_226 = arith.constant dense<0.000000e+00> : vector<512x256xf32>
    %dot_general3A_227 = tpu.matmul %convert_element_type3A, %get3A_225, %dot_general3A_226 {dimension_numbers = #tpu.dot_dimension_numbers<[1], [0], [0], [1], [0, 0, 1, 1], [], []>, transpose_lhs_hint = false} : vector<512x32xbf16>, vector<32x256xbf16>, vector<512x256xf32> -> vector<512x256xf32>
    %swap3A_228 = arith.constant 17 : index
    %swap3A_229 = arith.constant 0 : index
    %swap3A_230 = arith.constant 0 : index
    %swap3A_231 = vector.load %arg3[%swap3A_228, %swap3A_229, %swap3A_230] : memref<30x512x256xf32, #tpu.memory_space<vmem>>, vector<1x512x256xf32>
    %swap3A_232 = vector.shape_cast %swap3A_231 : vector<1x512x256xf32> to vector<512x256xf32>
    %swap3A_233 = vector.shape_cast %dot_general3A_227 : vector<512x256xf32> to vector<1x512x256xf32>
    tpu.vector_store %arg3[%swap3A_228, %swap3A_229, %swap3A_230], %swap3A_233 {strides = array<i32>} : memref<30x512x256xf32, #tpu.memory_space<vmem>>, vector<1x512x256xf32>,
    %get3A_234 = arith.constant 18 : index
    %get3A_235 = arith.constant 0 : index
    %get3A_236 = arith.constant 0 : index
    %get3A_237 = vector.load %arg2[%get3A_234, %get3A_235, %get3A_236] : memref<30x32x256xbf16, #tpu.memory_space<vmem>>, vector<1x32x256xbf16>
    %get3A_238 = vector.shape_cast %get3A_237 : vector<1x32x256xbf16> to vector<32x256xbf16>
    %dot_general3A_239 = arith.constant dense<0.000000e+00> : vector<512x256xf32>
    %dot_general3A_240 = tpu.matmul %convert_element_type3A, %get3A_238, %dot_general3A_239 {dimension_numbers = #tpu.dot_dimension_numbers<[1], [0], [0], [1], [0, 0, 1, 1], [], []>, transpose_lhs_hint = false} : vector<512x32xbf16>, vector<32x256xbf16>, vector<512x256xf32> -> vector<512x256xf32>
    %swap3A_241 = arith.constant 18 : index
    %swap3A_242 = arith.constant 0 : index
    %swap3A_243 = arith.constant 0 : index
    %swap3A_244 = vector.load %arg3[%swap3A_241, %swap3A_242, %swap3A_243] : memref<30x512x256xf32, #tpu.memory_space<vmem>>, vector<1x512x256xf32>
    %swap3A_245 = vector.shape_cast %swap3A_244 : vector<1x512x256xf32> to vector<512x256xf32>
    %swap3A_246 = vector.shape_cast %dot_general3A_240 : vector<512x256xf32> to vector<1x512x256xf32>
    tpu.vector_store %arg3[%swap3A_241, %swap3A_242, %swap3A_243], %swap3A_246 {strides = array<i32>} : memref<30x512x256xf32, #tpu.memory_space<vmem>>, vector<1x512x256xf32>,
    %get3A_247 = arith.constant 19 : index
    %get3A_248 = arith.constant 0 : index
    %get3A_249 = arith.constant 0 : index
    %get3A_250 = vector.load %arg2[%get3A_247, %get3A_248, %get3A_249] : memref<30x32x256xbf16, #tpu.memory_space<vmem>>, vector<1x32x256xbf16>
    %get3A_251 = vector.shape_cast %get3A_250 : vector<1x32x256xbf16> to vector<32x256xbf16>
    %dot_general3A_252 = arith.constant dense<0.000000e+00> : vector<512x256xf32>
    %dot_general3A_253 = tpu.matmul %convert_element_type3A, %get3A_251, %dot_general3A_252 {dimension_numbers = #tpu.dot_dimension_numbers<[1], [0], [0], [1], [0, 0, 1, 1], [], []>, transpose_lhs_hint = false} : vector<512x32xbf16>, vector<32x256xbf16>, vector<512x256xf32> -> vector<512x256xf32>
    %swap3A_254 = arith.constant 19 : index
    %swap3A_255 = arith.constant 0 : index
    %swap3A_256 = arith.constant 0 : index
    %swap3A_257 = vector.load %arg3[%swap3A_254, %swap3A_255, %swap3A_256] : memref<30x512x256xf32, #tpu.memory_space<vmem>>, vector<1x512x256xf32>
    %swap3A_258 = vector.shape_cast %swap3A_257 : vector<1x512x256xf32> to vector<512x256xf32>
    %swap3A_259 = vector.shape_cast %dot_general3A_253 : vector<512x256xf32> to vector<1x512x256xf32>
    tpu.vector_store %arg3[%swap3A_254, %swap3A_255, %swap3A_256], %swap3A_259 {strides = array<i32>} : memref<30x512x256xf32, #tpu.memory_space<vmem>>, vector<1x512x256xf32>,
    %get3A_260 = arith.constant 20 : index
    %get3A_261 = arith.constant 0 : index
    %get3A_262 = arith.constant 0 : index
    %get3A_263 = vector.load %arg2[%get3A_260, %get3A_261, %get3A_262] : memref<30x32x256xbf16, #tpu.memory_space<vmem>>, vector<1x32x256xbf16>
    %get3A_264 = vector.shape_cast %get3A_263 : vector<1x32x256xbf16> to vector<32x256xbf16>
    %dot_general3A_265 = arith.constant dense<0.000000e+00> : vector<512x256xf32>
    %dot_general3A_266 = tpu.matmul %convert_element_type3A, %get3A_264, %dot_general3A_265 {dimension_numbers = #tpu.dot_dimension_numbers<[1], [0], [0], [1], [0, 0, 1, 1], [], []>, transpose_lhs_hint = false} : vector<512x32xbf16>, vector<32x256xbf16>, vector<512x256xf32> -> vector<512x256xf32>
    %swap3A_267 = arith.constant 20 : index
    %swap3A_268 = arith.constant 0 : index
    %swap3A_269 = arith.constant 0 : index
    %swap3A_270 = vector.load %arg3[%swap3A_267, %swap3A_268, %swap3A_269] : memref<30x512x256xf32, #tpu.memory_space<vmem>>, vector<1x512x256xf32>
    %swap3A_271 = vector.shape_cast %swap3A_270 : vector<1x512x256xf32> to vector<512x256xf32>
    %swap3A_272 = vector.shape_cast %dot_general3A_266 : vector<512x256xf32> to vector<1x512x256xf32>
    tpu.vector_store %arg3[%swap3A_267, %swap3A_268, %swap3A_269], %swap3A_272 {strides = array<i32>} : memref<30x512x256xf32, #tpu.memory_space<vmem>>, vector<1x512x256xf32>,
    %get3A_273 = arith.constant 21 : index
    %get3A_274 = arith.constant 0 : index
    %get3A_275 = arith.constant 0 : index
    %get3A_276 = vector.load %arg2[%get3A_273, %get3A_274, %get3A_275] : memref<30x32x256xbf16, #tpu.memory_space<vmem>>, vector<1x32x256xbf16>
    %get3A_277 = vector.shape_cast %get3A_276 : vector<1x32x256xbf16> to vector<32x256xbf16>
    %dot_general3A_278 = arith.constant dense<0.000000e+00> : vector<512x256xf32>
    %dot_general3A_279 = tpu.matmul %convert_element_type3A, %get3A_277, %dot_general3A_278 {dimension_numbers = #tpu.dot_dimension_numbers<[1], [0], [0], [1], [0, 0, 1, 1], [], []>, transpose_lhs_hint = false} : vector<512x32xbf16>, vector<32x256xbf16>, vector<512x256xf32> -> vector<512x256xf32>
    %swap3A_280 = arith.constant 21 : index
    %swap3A_281 = arith.constant 0 : index
    %swap3A_282 = arith.constant 0 : index
    %swap3A_283 = vector.load %arg3[%swap3A_280, %swap3A_281, %swap3A_282] : memref<30x512x256xf32, #tpu.memory_space<vmem>>, vector<1x512x256xf32>
    %swap3A_284 = vector.shape_cast %swap3A_283 : vector<1x512x256xf32> to vector<512x256xf32>
    %swap3A_285 = vector.shape_cast %dot_general3A_279 : vector<512x256xf32> to vector<1x512x256xf32>
    tpu.vector_store %arg3[%swap3A_280, %swap3A_281, %swap3A_282], %swap3A_285 {strides = array<i32>} : memref<30x512x256xf32, #tpu.memory_space<vmem>>, vector<1x512x256xf32>,
    %get3A_286 = arith.constant 22 : index
    %get3A_287 = arith.constant 0 : index
    %get3A_288 = arith.constant 0 : index
    %get3A_289 = vector.load %arg2[%get3A_286, %get3A_287, %get3A_288] : memref<30x32x256xbf16, #tpu.memory_space<vmem>>, vector<1x32x256xbf16>
    %get3A_290 = vector.shape_cast %get3A_289 : vector<1x32x256xbf16> to vector<32x256xbf16>
    %dot_general3A_291 = arith.constant dense<0.000000e+00> : vector<512x256xf32>
    %dot_general3A_292 = tpu.matmul %convert_element_type3A, %get3A_290, %dot_general3A_291 {dimension_numbers = #tpu.dot_dimension_numbers<[1], [0], [0], [1], [0, 0, 1, 1], [], []>, transpose_lhs_hint = false} : vector<512x32xbf16>, vector<32x256xbf16>, vector<512x256xf32> -> vector<512x256xf32>
    %swap3A_293 = arith.constant 22 : index
    %swap3A_294 = arith.constant 0 : index
    %swap3A_295 = arith.constant 0 : index
    %swap3A_296 = vector.load %arg3[%swap3A_293, %swap3A_294, %swap3A_295] : memref<30x512x256xf32, #tpu.memory_space<vmem>>, vector<1x512x256xf32>
    %swap3A_297 = vector.shape_cast %swap3A_296 : vector<1x512x256xf32> to vector<512x256xf32>
    %swap3A_298 = vector.shape_cast %dot_general3A_292 : vector<512x256xf32> to vector<1x512x256xf32>
    tpu.vector_store %arg3[%swap3A_293, %swap3A_294, %swap3A_295], %swap3A_298 {strides = array<i32>} : memref<30x512x256xf32, #tpu.memory_space<vmem>>, vector<1x512x256xf32>,
    %get3A_299 = arith.constant 23 : index
    %get3A_300 = arith.constant 0 : index
    %get3A_301 = arith.constant 0 : index
    %get3A_302 = vector.load %arg2[%get3A_299, %get3A_300, %get3A_301] : memref<30x32x256xbf16, #tpu.memory_space<vmem>>, vector<1x32x256xbf16>
    %get3A_303 = vector.shape_cast %get3A_302 : vector<1x32x256xbf16> to vector<32x256xbf16>
    %dot_general3A_304 = arith.constant dense<0.000000e+00> : vector<512x256xf32>
    %dot_general3A_305 = tpu.matmul %convert_element_type3A, %get3A_303, %dot_general3A_304 {dimension_numbers = #tpu.dot_dimension_numbers<[1], [0], [0], [1], [0, 0, 1, 1], [], []>, transpose_lhs_hint = false} : vector<512x32xbf16>, vector<32x256xbf16>, vector<512x256xf32> -> vector<512x256xf32>
    %swap3A_306 = arith.constant 23 : index
    %swap3A_307 = arith.constant 0 : index
    %swap3A_308 = arith.constant 0 : index
    %swap3A_309 = vector.load %arg3[%swap3A_306, %swap3A_307, %swap3A_308] : memref<30x512x256xf32, #tpu.memory_space<vmem>>, vector<1x512x256xf32>
    %swap3A_310 = vector.shape_cast %swap3A_309 : vector<1x512x256xf32> to vector<512x256xf32>
    %swap3A_311 = vector.shape_cast %dot_general3A_305 : vector<512x256xf32> to vector<1x512x256xf32>
    tpu.vector_store %arg3[%swap3A_306, %swap3A_307, %swap3A_308], %swap3A_311 {strides = array<i32>} : memref<30x512x256xf32, #tpu.memory_space<vmem>>, vector<1x512x256xf32>,
    %get3A_312 = arith.constant 24 : index
    %get3A_313 = arith.constant 0 : index
    %get3A_314 = arith.constant 0 : index
    %get3A_315 = vector.load %arg2[%get3A_312, %get3A_313, %get3A_314] : memref<30x32x256xbf16, #tpu.memory_space<vmem>>, vector<1x32x256xbf16>
    %get3A_316 = vector.shape_cast %get3A_315 : vector<1x32x256xbf16> to vector<32x256xbf16>
    %dot_general3A_317 = arith.constant dense<0.000000e+00> : vector<512x256xf32>
    %dot_general3A_318 = tpu.matmul %convert_element_type3A, %get3A_316, %dot_general3A_317 {dimension_numbers = #tpu.dot_dimension_numbers<[1], [0], [0], [1], [0, 0, 1, 1], [], []>, transpose_lhs_hint = false} : vector<512x32xbf16>, vector<32x256xbf16>, vector<512x256xf32> -> vector<512x256xf32>
    %swap3A_319 = arith.constant 24 : index
    %swap3A_320 = arith.constant 0 : index
    %swap3A_321 = arith.constant 0 : index
    %swap3A_322 = vector.load %arg3[%swap3A_319, %swap3A_320, %swap3A_321] : memref<30x512x256xf32, #tpu.memory_space<vmem>>, vector<1x512x256xf32>
    %swap3A_323 = vector.shape_cast %swap3A_322 : vector<1x512x256xf32> to vector<512x256xf32>
    %swap3A_324 = vector.shape_cast %dot_general3A_318 : vector<512x256xf32> to vector<1x512x256xf32>
    tpu.vector_store %arg3[%swap3A_319, %swap3A_320, %swap3A_321], %swap3A_324 {strides = array<i32>} : memref<30x512x256xf32, #tpu.memory_space<vmem>>, vector<1x512x256xf32>,
    %get3A_325 = arith.constant 25 : index
    %get3A_326 = arith.constant 0 : index
    %get3A_327 = arith.constant 0 : index
    %get3A_328 = vector.load %arg2[%get3A_325, %get3A_326, %get3A_327] : memref<30x32x256xbf16, #tpu.memory_space<vmem>>, vector<1x32x256xbf16>
    %get3A_329 = vector.shape_cast %get3A_328 : vector<1x32x256xbf16> to vector<32x256xbf16>
    %dot_general3A_330 = arith.constant dense<0.000000e+00> : vector<512x256xf32>
    %dot_general3A_331 = tpu.matmul %convert_element_type3A, %get3A_329, %dot_general3A_330 {dimension_numbers = #tpu.dot_dimension_numbers<[1], [0], [0], [1], [0, 0, 1, 1], [], []>, transpose_lhs_hint = false} : vector<512x32xbf16>, vector<32x256xbf16>, vector<512x256xf32> -> vector<512x256xf32>
    %swap3A_332 = arith.constant 25 : index
    %swap3A_333 = arith.constant 0 : index
    %swap3A_334 = arith.constant 0 : index
    %swap3A_335 = vector.load %arg3[%swap3A_332, %swap3A_333, %swap3A_334] : memref<30x512x256xf32, #tpu.memory_space<vmem>>, vector<1x512x256xf32>
    %swap3A_336 = vector.shape_cast %swap3A_335 : vector<1x512x256xf32> to vector<512x256xf32>
    %swap3A_337 = vector.shape_cast %dot_general3A_331 : vector<512x256xf32> to vector<1x512x256xf32>
    tpu.vector_store %arg3[%swap3A_332, %swap3A_333, %swap3A_334], %swap3A_337 {strides = array<i32>} : memref<30x512x256xf32, #tpu.memory_space<vmem>>, vector<1x512x256xf32>,
    %get3A_338 = arith.constant 26 : index
    %get3A_339 = arith.constant 0 : index
    %get3A_340 = arith.constant 0 : index
    %get3A_341 = vector.load %arg2[%get3A_338, %get3A_339, %get3A_340] : memref<30x32x256xbf16, #tpu.memory_space<vmem>>, vector<1x32x256xbf16>
    %get3A_342 = vector.shape_cast %get3A_341 : vector<1x32x256xbf16> to vector<32x256xbf16>
    %dot_general3A_343 = arith.constant dense<0.000000e+00> : vector<512x256xf32>
    %dot_general3A_344 = tpu.matmul %convert_element_type3A, %get3A_342, %dot_general3A_343 {dimension_numbers = #tpu.dot_dimension_numbers<[1], [0], [0], [1], [0, 0, 1, 1], [], []>, transpose_lhs_hint = false} : vector<512x32xbf16>, vector<32x256xbf16>, vector<512x256xf32> -> vector<512x256xf32>
    %swap3A_345 = arith.constant 26 : index
    %swap3A_346 = arith.constant 0 : index
    %swap3A_347 = arith.constant 0 : index
    %swap3A_348 = vector.load %arg3[%swap3A_345, %swap3A_346, %swap3A_347] : memref<30x512x256xf32, #tpu.memory_space<vmem>>, vector<1x512x256xf32>
    %swap3A_349 = vector.shape_cast %swap3A_348 : vector<1x512x256xf32> to vector<512x256xf32>
    %swap3A_350 = vector.shape_cast %dot_general3A_344 : vector<512x256xf32> to vector<1x512x256xf32>
    tpu.vector_store %arg3[%swap3A_345, %swap3A_346, %swap3A_347], %swap3A_350 {strides = array<i32>} : memref<30x512x256xf32, #tpu.memory_space<vmem>>, vector<1x512x256xf32>,
    %get3A_351 = arith.constant 27 : index
    %get3A_352 = arith.constant 0 : index
    %get3A_353 = arith.constant 0 : index
    %get3A_354 = vector.load %arg2[%get3A_351, %get3A_352, %get3A_353] : memref<30x32x256xbf16, #tpu.memory_space<vmem>>, vector<1x32x256xbf16>
    %get3A_355 = vector.shape_cast %get3A_354 : vector<1x32x256xbf16> to vector<32x256xbf16>
    %dot_general3A_356 = arith.constant dense<0.000000e+00> : vector<512x256xf32>
    %dot_general3A_357 = tpu.matmul %convert_element_type3A, %get3A_355, %dot_general3A_356 {dimension_numbers = #tpu.dot_dimension_numbers<[1], [0], [0], [1], [0, 0, 1, 1], [], []>, transpose_lhs_hint = false} : vector<512x32xbf16>, vector<32x256xbf16>, vector<512x256xf32> -> vector<512x256xf32>
    %swap3A_358 = arith.constant 27 : index
    %swap3A_359 = arith.constant 0 : index
    %swap3A_360 = arith.constant 0 : index
    %swap3A_361 = vector.load %arg3[%swap3A_358, %swap3A_359, %swap3A_360] : memref<30x512x256xf32, #tpu.memory_space<vmem>>, vector<1x512x256xf32>
    %swap3A_362 = vector.shape_cast %swap3A_361 : vector<1x512x256xf32> to vector<512x256xf32>
    %swap3A_363 = vector.shape_cast %dot_general3A_357 : vector<512x256xf32> to vector<1x512x256xf32>
    tpu.vector_store %arg3[%swap3A_358, %swap3A_359, %swap3A_360], %swap3A_363 {strides = array<i32>} : memref<30x512x256xf32, #tpu.memory_space<vmem>>, vector<1x512x256xf32>,
    %get3A_364 = arith.constant 28 : index
    %get3A_365 = arith.constant 0 : index
    %get3A_366 = arith.constant 0 : index
    %get3A_367 = vector.load %arg2[%get3A_364, %get3A_365, %get3A_366] : memref<30x32x256xbf16, #tpu.memory_space<vmem>>, vector<1x32x256xbf16>
    %get3A_368 = vector.shape_cast %get3A_367 : vector<1x32x256xbf16> to vector<32x256xbf16>
    %dot_general3A_369 = arith.constant dense<0.000000e+00> : vector<512x256xf32>
    %dot_general3A_370 = tpu.matmul %convert_element_type3A, %get3A_368, %dot_general3A_369 {dimension_numbers = #tpu.dot_dimension_numbers<[1], [0], [0], [1], [0, 0, 1, 1], [], []>, transpose_lhs_hint = false} : vector<512x32xbf16>, vector<32x256xbf16>, vector<512x256xf32> -> vector<512x256xf32>
    %swap3A_371 = arith.constant 28 : index
    %swap3A_372 = arith.constant 0 : index
    %swap3A_373 = arith.constant 0 : index
    %swap3A_374 = vector.load %arg3[%swap3A_371, %swap3A_372, %swap3A_373] : memref<30x512x256xf32, #tpu.memory_space<vmem>>, vector<1x512x256xf32>
    %swap3A_375 = vector.shape_cast %swap3A_374 : vector<1x512x256xf32> to vector<512x256xf32>
    %swap3A_376 = vector.shape_cast %dot_general3A_370 : vector<512x256xf32> to vector<1x512x256xf32>
    tpu.vector_store %arg3[%swap3A_371, %swap3A_372, %swap3A_373], %swap3A_376 {strides = array<i32>} : memref<30x512x256xf32, #tpu.memory_space<vmem>>, vector<1x512x256xf32>,
    %get3A_377 = arith.constant 29 : index
    %get3A_378 = arith.constant 0 : index
    %get3A_379 = arith.constant 0 : index
    %get3A_380 = vector.load %arg2[%get3A_377, %get3A_378, %get3A_379] : memref<30x32x256xbf16, #tpu.memory_space<vmem>>, vector<1x32x256xbf16>
    %get3A_381 = vector.shape_cast %get3A_380 : vector<1x32x256xbf16> to vector<32x256xbf16>
    %dot_general3A_382 = arith.constant dense<0.000000e+00> : vector<512x256xf32>
    %dot_general3A_383 = tpu.matmul %convert_element_type3A, %get3A_381, %dot_general3A_382 {dimension_numbers = #tpu.dot_dimension_numbers<[1], [0], [0], [1], [0, 0, 1, 1], [], []>, transpose_lhs_hint = false} : vector<512x32xbf16>, vector<32x256xbf16>, vector<512x256xf32> -> vector<512x256xf32>
    %swap3A_384 = arith.constant 29 : index
    %swap3A_385 = arith.constant 0 : index
    %swap3A_386 = arith.constant 0 : index
    %swap3A_387 = vector.load %arg3[%swap3A_384, %swap3A_385, %swap3A_386] : memref<30x512x256xf32, #tpu.memory_space<vmem>>, vector<1x512x256xf32>
    %swap3A_388 = vector.shape_cast %swap3A_387 : vector<1x512x256xf32> to vector<512x256xf32>
    %swap3A_389 = vector.shape_cast %dot_general3A_383 : vector<512x256xf32> to vector<1x512x256xf32>
    tpu.vector_store %arg3[%swap3A_384, %swap3A_385, %swap3A_386], %swap3A_389 {strides = array<i32>} : memref<30x512x256xf32, #tpu.memory_space<vmem>>, vector<1x512x256xf32>,
    return
  }
  func.func @transform_0(%arg0: i32) -> (i32, i32) {
    %c0_i32 = arith.constant 0 : i32
    %c0_i32_0 = arith.constant 0 : i32
    return %arg0, %c0_i32 : i32, i32
  }
  func.func @transform_1(%arg0: i32) -> (i32, i32, i32) {
    %c0_i32 = arith.constant 0 : i32
    %c0_i32_0 = arith.constant 0 : i32
    %c0_i32_1 = arith.constant 0 : i32
    %c0_i32_2 = arith.constant 0 : i32
    return %c0_i32, %c0_i32_0, %c0_i32_1 : i32, i32, i32
  }
  func.func @transform_2(%arg0: i32) -> (i32, i32, i32) {
    %c0_i32 = arith.constant 0 : i32
    %c0_i32_0 = arith.constant 0 : i32
    %c0_i32_1 = arith.constant 0 : i32
    return %c0_i32, %arg0, %c0_i32_0 : i32, i32, i32
  }
}

</mosaic_0001>

<sc_bundles>
// kernel: kernel.4.cloned.1.call-start
scs
__scs_entry_jumppad:
0x0: {  	(pc) =	sbr.rel $0x88, $3  }
0x1: {  	(tag) =	ssettag $0x0;
	lr =	simm.s32 $0x1  }
0x2: {  	[smem:$0x3F9F] =	sst lr;
	_ =	strace $0xD0000000  }
0x3: {  	_ = 	snop  }
0x4: {  	_ = 	snop  }
0x5: {  	_ = 	snop  }
0x6: {  	_ = 	snop  }
0x7: {  	_ = 	snop  }
__scs_overlays_trampoline_lowered:
0x8: {  	[smem:$0x3FAE] =	sst s0  }
0x9: {  	[smem:$0x3FAF] =	sst s1  }
0xa: {  	[smem:$0x3FB0] =	sst s2  }
0xb: {  	[smem:$0x3FB1] =	sst s3  }
0xc: {  	[smem:$0x3FB2] =	sst s4  }
0xd: {  	[smem:$0x3FB3] =	sst s5  }
0xe: {  	[smem:$0x3FB4] =	sst s6  }
0xf: {  	[smem:$0x3FB5] =	sst s7  }
0x10: {  	[smem:$0x3FB6] =	sst s8  }
0x11: {  	[smem:$0x3FB7] =	sst s9;
	s0 =	simm.s32 @!p0 $0x0  }
0x12: {  	s1 =	sld [smem:$0x3F9D];
	s0 =	simm.s32 @p0 $0x1  }
0x13: {  	[smem:$0x3FB8] =	sst s0;
	s0 =	simm.s32 @!p1 $0x0  }
0x14: {  	s2 =	sld [smem:$0x3F9C];
	s0 =	simm.s32 @p1 $0x1  }
0x15: {  	[smem:$0x3FB9] =	sst s0;
	s0 =	simm.s32 @!p2 $0x0  }
0x16: {  	s3 =	sld [smem:$0x3FDB];
	s0 =	simm.s32 @p2 $0x1  }
0x17: {  	s4 =	simm.s32 $0x1BF5;
	[smem:$0x3FBB] =	sst s0  }
0x18: {  	s0 =	sld [smem:$0x3F9E];
	_ =	swait.ge [sflag:s4], $0x0  }
0x19: {  	s7 =	sld [smem:$0x3F9F]  }
0x1a: {  	s8 =	sadd.s32 $0xFFFFE003, lr  }
0x1b: {  	s9 =	sadd.s32 $0xFFFFFEF7, lr;
	s5 =	simm.s32 $0xFFFFFFFF;
	p2 =	slt.u32 s8, $0xFFFFF086  }
0x1c: {  	p1 =	slt.u32 s9, $0xF7A;
	s5 =	simm.s32 @!p2 $0x0  }
0x1d: {  	s5 =	simm.s32 @p1 $0x1;
	p0 =	seq.s32 s7, s2  }
0x1e: {  	s7 =	smul.u32 @!p0 $0xF7A, s2;
	p2 =	seq.s32 @!p0 s5, $0x0  }
0x1f: {  	s9 =	smul.u32 $0xF7A, s1;
	s8 =	simm.s32 @!p0 $0x1BF5;
	p2 =	por !p2, p0  }
0x20: {  	[sflag:s8] =	ssyncset.s32 @!p0 $0xFFFFF086;
	s6 =	sadd.s32 @!p0 s3, s7;
	s7 =	simm.s32 @!p0 $0x108  }
0x21: {  	s3 =	sadd.s32 s3, s9;
	s6 =	sadd.s32 @!p0 $0x88, s6;
	s7 =	simm.s32 @p2 $0x1082  }
0x22: {  	[simem:s7], [sflag:s8] =	dma.local @!p0 [hbm:s6], $0xF7A  }
0x23: {  	s9 =	sor.u32 $0xD0000000, s2;
	s6 =	simm.s32 $0x108;
	_ =	swait.ge @!p0 [sflag:s8], $0x0  }
0x24: {  	s3 =	sadd.s32 $0x88, s3;
	s6 =	simm.s32 @!p1 $0x1082;
	[sflag:s4] =	ssyncset.s32 $0xFFFFF086  }
0x25: {  	[simem:s6], [sflag:s4] =	dma.local [hbm:s3], $0xF7A  }
0x26: {  	[smem:$0x3F9F] =	sst s1;
	(tag) =	ssettag s2;
	_ =	strace s9  }
0x27: {  	s1 =	sld [smem:$0x3FAF]  }
0x28: {  	s2 =	sld [smem:$0x3FB0]  }
0x29: {  	s4 =	sld [smem:$0x3FB2]  }
0x2a: {  	p0 =	seq.s32 s5, $0x0;
	s5 =	sld [smem:$0x3FB3]  }
0x2b: {  	s6 =	sld [smem:$0x3FB4]  }
0x2c: {  	s7 =	sld [smem:$0x3FB5]  }
0x2d: {  	s3 =	simm.s32 $0x108;
	s8 =	sld [smem:$0x3FB6]  }
0x2e: {  	s3 =	simm.s32 @!p0 $0x1082;
	s9 =	sld [smem:$0x3FB7]  }
0x2f: {  	lr =	sadd.s32 s0, s3;
	s0 =	sld [smem:$0x3FAE]  }
0x30: {  	s3 =	sld [smem:$0x3FB1]  }
0x31: {  	[smem:$0x3FBA] =	sst s10  }
0x32: {  	s10 =	sld [smem:$0x3FB8];
	_ =	sdelay $0x3  }
0x33: {  	p0 =	seq.s32 s10, $0x1;
	s10 =	sld [smem:$0x3FBA];
	_ =	sdelay $0x3  }
0x34: {  	[smem:$0x3FBA] =	sst s10  }
0x35: {  	s10 =	sld [smem:$0x3FB9];
	_ =	sdelay $0x3  }
0x36: {  	p1 =	seq.s32 s10, $0x1;
	s10 =	sld [smem:$0x3FBA];
	_ =	sdelay $0x3  }
0x37: {  	[smem:$0x3FBA] =	sst s10  }
0x38: {  	s10 =	sld [smem:$0x3FBB]  }
0x39: {  	_ = 	snop;
	(pc) =	sbr.ind lr, $3  }
0x3a: {  	_ = 	snop  }
0x3b: {  	_ = 	snop  }
0x3c: {  	p2 =	seq.s32 s10, $0x1;
	s10 =	sld [smem:$0x3FBA]  }
0x3d: {  	_ =	shalt  }
0x3e: {  	_ =	shalt  }
0x3f: {  	_ =	shalt  }
0x40: {  	_ =	shalt  }
0x41: {  	_ =	shalt  }
0x42: {  	_ =	shalt  }
0x43: {  	_ =	shalt  }
0x44: {  	_ =	shalt  }
0x45: {  	_ =	shalt  }
0x46: {  	_ =	shalt  }
0x47: {  	_ =	shalt  }
0x48: {  	_ =	shalt  }
0x49: {  	_ =	shalt  }
0x4a: {  	_ =	shalt  }
0x4b: {  	_ =	shalt  }
0x4c: {  	_ =	shalt  }
0x4d: {  	_ =	shalt  }
0x4e: {  	_ =	shalt  }
0x4f: {  	_ =	shalt  }
0x50: {  	_ =	shalt  }
0x51: {  	_ =	shalt  }
0x52: {  	_ =	shalt  }
0x53: {  	_ =	shalt  }
0x54: {  	_ =	shalt  }
0x55: {  	_ =	shalt  }
0x56: {  	_ =	shalt  }
0x57: {  	_ =	shalt  }
0x58: {  	_ =	shalt  }
0x59: {  	_ =	shalt  }
0x5a: {  	_ =	shalt  }
0x5b: {  	_ =	shalt  }
0x5c: {  	_ =	shalt  }
0x5d: {  	_ =	shalt  }
0x5e: {  	_ =	shalt  }
0x5f: {  	_ =	shalt  }
0x60: {  	_ =	shalt  }
0x61: {  	_ =	shalt  }
0x62: {  	_ =	shalt  }
0x63: {  	_ =	shalt  }
0x64: {  	_ =	shalt  }
0x65: {  	_ =	shalt  }
0x66: {  	_ =	shalt  }
0x67: {  	_ =	shalt  }
0x68: {  	_ =	shalt  }
0x69: {  	_ =	shalt  }
0x6a: {  	_ =	shalt  }
0x6b: {  	_ =	shalt  }
0x6c: {  	_ =	shalt  }
0x6d: {  	_ =	shalt  }
0x6e: {  	_ =	shalt  }
0x6f: {  	_ =	shalt  }
0x70: {  	_ =	shalt  }
0x71: {  	_ =	shalt  }
0x72: {  	_ =	shalt  }
0x73: {  	_ =	shalt  }
0x74: {  	_ =	shalt  }
0x75: {  	_ =	shalt  }
0x76: {  	_ =	shalt  }
0x77: {  	_ =	shalt  }
0x78: {  	_ =	shalt  }
0x79: {  	_ =	shalt  }
0x7a: {  	_ =	shalt  }
0x7b: {  	_ =	shalt  }
0x7c: {  	_ =	shalt  }
0x7d: {  	_ =	shalt  }
0x7e: {  	_ =	shalt  }
0x7f: {  	_ =	shalt  }
0x80: {  	_ =	shalt  }
0x81: {  	_ =	shalt  }
0x82: {  	_ =	shalt  }
0x83: {  	_ =	shalt  }
0x84: {  	_ =	shalt  }
0x85: {  	_ =	shalt  }
0x86: {  	_ =	shalt  }
0x87: {  	_ =	shalt  }
.Lfunc_end0:
.L_simem_size_0:
called_computation_lowered:
.L_overlay_start_0:
0x88: {  	s2 =	sld [smem:$0x3FD9]  }
0x89: {  	s3 =	sld [smem:$0x3FFE];
	_ =	sdelay $0x1  }
0x8a: {  	s1 =	srdreg.scid  }
0x8b: {  	s0 =	sand.u32 $0x1, s1  }
0x8c: {  	s18 =	sshll.u32 s0, $0xA;
	s2 =	sadd.s32 s3, s2  }
0x8d: {  	s2 =	sadd.s32 s2, s18  }
0x8e: {  	[smem:$0x3FC6] =	sst s2  }
0x8f: {  	_ = 	snop  }
0x90: {  	s2 =	sld [smem:$0x3FC9]  }
0x91: {  	s19 =	sld [smem:$0x3FD0];
	(tm) =	ssettm $0x1  }
0x92: {  	s4 =	sld [smem:$0x3FFB];
	_ =	sdelay $0x3  }
0x93: {  	_ =	strace s4  }
0x94: {  	s4 =	sld [smem:$0x3FFC];
	_ =	sdelay $0x3  }
0x95: {  	_ =	strace s4  }
0x96: {  	s4 =	sld [smem:$0x3FFD];
	_ =	sdelay $0x3  }
0x97: {  	_ =	strace s4  }
0x98: {  	_ =	strace $0x8FFFFFFF  }
0x99: {  	s20 =	sld [smem:$0x3FDB];
	_ =	sdelay $0x1  }
0x9a: {  	s5 =	simm.s32 $_scs_section_size  }
0x9b: {  	s6 =	simm.s32 $_size__tile_overlayer_lowered;
	s7 =	simm.s32 $_tile_overlayer_lowered  }
0x9c: {  	s23 =	simm.s32 $0x1BFF;
	s22 =	sshll.u32 s7, $0x1;
	s4 =	sadd.s32 s5, s20  }
0x9d: {  	s8 =	simm.s32 $0x0;
	s21 =	sshll.u32 s6, $0x1;
	s6 =	sadd.s32 s22, s4  }
0x9e: {  	[timem:s8], [sflag:s23] =	dma.local [hbm:s6], s21  }
0x9f: {  	_ =	swait.ge [sflag:s23], s21  }
0xa0: {  	s5 =	ssub.s32 $0x0, s21;
	[sflag:s23] =	ssyncset.done $0x0  }
0xa1: {  	[sflag:s23] =	ssyncadd.s32 s5;
	_ =	sdelay $0x1  }
0xa2: {  	s24 =	simm.s32 $0x1B8B  }
0xa3: {  	_ =	swait.ge [sflag:s24], $0x1  }
0xa4: {  	[sflag:s24] =	ssyncset.done $0x0  }
0xa5: {  	s25 =	simm.s32 $0x1B8E;
	[sflag:s24] =	ssyncadd.s32 $0xFFFFFFFF  }
0xa6: {  	s26 =	simm.s32 $execute0_lowered;
	[smem:$0x3FD2] =	sst s25  }
0xa7: {  	s5 =	sshll.u32 s26, $0x1;
	_ =	strace $0x80000046;
	[dreg:$0x1] =	wrdreg $0xFFFFFFFF  }
0xa8: {  	s28 =	simm.s32 $_size_execute0_lowered;
	s4 =	sadd.s32 s4, s5;
	[dreg:$0x0] =	wrdreg $0x0  }
0xa9: {  	s5 =	sshll.u32 s28, $0x1;
	[dreg:$0x2] =	wrdreg s4  }
0xaa: {  	[dreg:$0x3] =	wrdreg s5  }
0xab: {  	[dreg:$0x4] =	wrdreg $0xC0  }
0xac: {  	_ =	task [dreg:s8], $0x5FFFF  }
0xad: {  	[dreg:$0x1] =	wrdreg $0xFFFFFFFF  }
0xae: {  	[dreg:$0x0] =	wrdreg $0x60  }
0xaf: {  	[dreg:$0x2] =	wrdreg s2  }
0xb0: {  	[dreg:$0x3] =	wrdreg s19  }
0xb1: {  	[dreg:$0x4] =	wrdreg $0x9  }
0xb2: {  	_ =	task.clear_ibuf [dreg:s8], $0x5FFFF;
	_ =	strace $0x90000046  }
0xb3: {  	s29 =	simm.s32 $0x9;
	_ =	strace $0x80000048  }
0xb4: {  	_ =	swait.ge [sflag:s29], $0x1  }
0xb5: {  	[sflag:s29] =	ssyncadd.s32 $0xFFFFFFFF  }
0xb6: {  	_ =	strace $0x90000048  }
0xb7: {  	_ =	sfence  }
0xb8: {  	s30 =	sld [smem:$0x0];
	_ =	sdelay $0x2  }
0xb9: {  	s31 =	sshll.u32 s1, $0xD;
	s1 =	sshrl.u32 s1, $0x2  }
0xba: {  	s3 =	sand.u32 $0x4000, s31;
	s1 =	sadd.s32 s1, s30  }
0xbb: {  	s0 =	sor.u32 s3, s0;
	s1 =	sshll.u32 s1, $0x11  }
0xbc: {  	s0 =	sor.u32 s1, s0  }
0xbd: {  	s0 =	sadd.s32 $0x8F2B, s0  }
0xbe: {  	[sflag:s0] =	ssyncadd.remote.s32 $0x1  }
0xbf: {  	_ =	sfence.sel $0xFFFF  }
0xc0: {  	[dreg:$0x0] =	wrdreg $0xFFFFFFFF;
	(pc) =	sbr.abs _section_cstart, $3  }
0xc1: {  	[dreg:$0x1] =	wrdreg $0xFFFFFFFF  }
0xc2: {  	_ =	task.clear_ibuf [dreg:s8], $0x2FFFF;
	_ =	strace $0x9FFFFFFF  }
0xc3: {  	(tm) =	ssettm $0x7FFFFFFF  }
tec
execute0_lowered:
.L_overlay_start_1:
0x0: {  	(tag) =	ssettag $0x1  }
0x1: {  	s3 =	rddreg [dreg:$0x0]  }
0x2: {  	s5 =	rddreg [dreg:$0x1]  }
0x3: {  	s0 =	rddreg [dreg:$0x2];
	s2 =	simm.s32 $0x0;
	s4 =	srdreg.scid  }
0x4: {  	s1 =	stileid.u32;
	s9 =	simm.s32 $0x1800;
	s10 =	simm.s32 $0x1  }
0x5: {  	s11 =	simm.s32 $0x1C00;
	s12 =	simm.s32 $0x0;
	s4 =	sand.u32 $0x1, s4  }
0x6: {  	s7 =	sshll.u32 s1, $0x7;
	s6 =	ssub.s32 $0x2, s4;
	s4 =	sshll.u32 s4, $0xB  }
0x7: {  	[smem:$0x7FF] =	sst s2;
	s8 =	sshrl.u32 s6, $0x1;
	s4 =	sor.u32 s7, s4  }
0x8: {  	_ =	strace $0x80000047;
	s6 =	ssub.s32 s6, s8;
	s3 =	sadd.s32 s3, s4  }
0x9: {  	v1 =	vlaneseq.u32;
	s7 =	sshll.u32 s4, $0x4;
	s8 =	simm.s32 $0x8000;
	s4 =	sadd.s32 $0x6000, s3  }
0xa: {  	v0 =	vimm.f32 $0.0e+00;
	v2 =	vimm.f32 $1.000000000e+00;
	v1 =	vmul.u32 $0x80, v1;
	s5 =	sadd.s32 s5, s7;
	s6 =	smax.u32 s6, $0x1;
	s7 =	simm.s32 $0x400  }
.LBB2_1:
0xb: {  	[tilespmem:s2], [sflag:$0x1] =	stream.strided.gather [hbm4b:s3+s7], $0x1800, s8, s7, $0x38;
	[tilespmem:$0x5C00] =	vst v63  }
0xc: {  	s13 =	simm.s32 $0x200;
	s14 =	simm.s32 $0x0  }
0xd: {  	[tilespmem:s9], [sflag:$0x1] =	stream.linear.gather [hbm4b:s4+s2], $0x100, $0x38;
	[tilespmem:$0x5C00] =	vst v63  }
.LBB2_2:
0xe: {  	p0 =	sne.s32 s13, $0xFE00;
	[tilespmem:s14+$0x1C00] =	vst v0;
	s15 =	smov.u32 s13;
	s13 =	sadd.s32 $0x200, s13  }
.Ltmp0:
0xf: {  	[tilespmem:s14+$0x1C10] =	vst v0;
	(pc) =	sbr.rel @p0 .LBB2_2-.Ltmp0, $2  }
0x10: {  	_ =	sdelay $0x2  }
0x11: {  	s14 =	sshra.s32 s15, $0x2  }
0x12: {  	[tilespmem:s14+$0x1C00] =	vst v0  }
0x13: {  	[tilespmem:s14+$0x1C10] =	vst v0  }
0x14: {  	_ =	swait.ge [sflag:s10], $0x1900  }
0x15: {  	[sflag:s10] =	ssyncset.done $0x0  }
0x16: {  	s13 =	simm.s32 $0x0;
	s14 =	simm.s32 $0x0;
	[sflag:s10] =	ssyncadd.s32 $0xFFFFE700  }
.LBB2_4:
0x17: {  	v4 =	vmov s13  }
0x18: {  	s15 =	sshll.u32 s14, $0x4  }
0x19: {  	v3 =	vmov s15  }
0x1a: {  	v3 =	vshll.u32 v3, $0x7  }
0x1b: {  	s16 =	simm.s32 $0x0;
	s15 =	simm.s32 $0x200;
	v3 =	vor.u32 v1, v3  }
.LBB2_5:
0x1c: {  	p0 =	sne.s32 s15, $0x6200;
	v5 =	vld.idx.msk [tilespmem:v4+s16+$0x0 ss:$0x1], $0xffff;
	_ =	sdelay $0x5  }
0x1d: {  	v6 =	vand.u32 $0xFFFFFF80, v5  }
0x1e: {  	v5 =	vand.u32 $0x7F, v5;
	v6 =	vadd.s32 v3, v6  }
0x1f: {  	v5 =	vor.u32 v5, v6  }
.Ltmp1:
0x20: {  	(pc) =	sbr.rel @p0 .LBB2_5-.Ltmp1, $2  }
0x21: {  	_ =	sdelay $0x2  }
0x22: {  	s16 =	sshra.s32 s15, $0x2;
	s15 =	sadd.s32 $0x200, s15;
	[tilespmem:v5+s11+$0x0] =	vst.idx.add.f32.msk $0xffff, v2  }
0x23: {  	_ =	sdelay $0x3  }
0x24: {  	v4 =	vld.idx.msk [tilespmem:v4+s16+$0x0 ss:$0x1], $0xffff;
	_ =	sdelay $0x4  }
0x25: {  	v5 =	vand.u32 $0xFFFFFF80, v4  }
0x26: {  	s14 =	sadd.s32 $0x1, s14;
	v4 =	vand.u32 $0x7F, v4;
	v3 =	vadd.s32 v3, v5  }
0x27: {  	p0 =	sne.s32 s14, $0x8;
	v3 =	vor.u32 v4, v3  }
.Ltmp2:
0x28: {  	_ = 	snop;
	(pc) =	sbr.rel @p0 .LBB2_4-.Ltmp2, $2  }
0x29: {  	_ =	sdelay $0x2  }
0x2a: {  	s13 =	sadd.s32 $0x10, s13;
	[tilespmem:v3+s11+$0x0] =	vst.idx.add.f32.msk $0xffff, v2  }
0x2b: {  	s12 =	sadd.s32 $0x1, s12  }
0x2c: {  	p0 =	sne.s32 s12, s6  }
.Ltmp3:
0x2d: {  	_ = 	snop;
	(pc) =	sbr.rel @p0 .LBB2_1-.Ltmp3, $4  }
0x2e: {  	[hbm4b:s5+s2] =	stream.linear.scatter [tilespmem:s11], [sflag:$0x1], $0x4000, $0x38;
	[tilespmem:$0x5C00] =	vst v63  }
0x2f: {  	_ =	swait.ge [sflag:s10], $0x4000  }
0x30: {  	[sflag:s10] =	ssyncset.done $0x0  }
0x31: {  	[sflag:s10] =	ssyncadd.s32 $0xFFFFC000  }
0x32: {  	_ =	sfence.sel $0x180000  }
0x33: {  	[bflag:$0x0] =	sbarrier.arrive $0xFFFF  }
0x34: {  	p0 =	sne.s32 s1, $0x0;
	_ =	strace $0x90000047  }
0x35: {  	s0 =	sadd.s32 @!p0 $0x100000, s0;
	[bflag:$0x2] =	sbarrier.arrive $0xFFFF  }
0x36: {  	[sflag:s0] =	ssyncadd.tile.s32 @!p0 $0x1;
	_ =	shalt  }
.Lfunc_end2:
_tile_overlayer_lowered:
.L_overlay_start_2:
0x37: {  	(tag) =	ssettag $0x2  }
0x38: {  	s0 =	rddreg [dreg:$0x0];
	s2 =	stileid.u32  }
0x39: {  	s1 =	rddreg [dreg:$0x1];
	p0 =	sne.s32 s2, $0x0  }
0x3a: {  	s3 =	rddreg [dreg:$0x2];
	[bflag:$0x3] =	sbarrier.arrive $0xFFFF;
	s2 =	simm.s32 @!p0 $0x1C02  }
0x3b: {  	[timem:s3], [sflag:s2] =	dma.local @!p0 [hbm:s0], s1  }
0x3c: {  	s0 =	simm.s32 @!p0 $0x2  }
0x3d: {  	_ =	swait.ge @!p0 [sflag:s0], s1  }
0x3e: {  	s1 =	ssub.s32 @!p0 $0x0, s1;
	[sflag:s0] =	ssyncset.done @!p0 $0x0  }
0x3f: {  	[sflag:s0] =	ssyncadd.s32 @!p0 s1  }
0x40: {  	[bflag:$0x3] =	sbarrier.arrive $0xFFFF  }
0x41: {  	_ =	shalt  }

</sc_bundles>
